<compile_context>
chip_gen: v7x
topology: tpu7x:2x2x1
jax: 0.10.2.dev20260603
libtpu: 0.0.44.dev20260713+nightly
codegen_flags: <defaults>
</compile_context>

<pallas_src>
import numpy as np
import jax
import jax.numpy as jnp
from jax.experimental import pallas as pl
from jax.experimental.pallas import tpu as pltpu

_N = 2048
_F = _N // 2 + 1
_P = 1032
_C = 1024
_K = 64
_W = 512
_TW = 512


def _make_tables():
    t = np.arange(_N, dtype=np.float64)
    k = np.arange(_P, dtype=np.float64)
    ang = (2.0 * np.pi / _N) * np.outer(k, t)
    cos_kt = np.cos(ang)
    sin_kt = np.sin(ang)
    valid = (np.arange(_P) < _F)[:, None].astype(np.float64)
    ct = cos_kt * valid
    st = -sin_kt * valid
    c = np.arange(_C, dtype=np.float64)
    ang2 = (2.0 * np.pi / _N) * np.outer(t, c)
    wc = np.where(c == 0, 1.0, 2.0) / _N
    ci = np.cos(ang2) * wc[None, :]
    si = -np.sin(ang2) * wc[None, :]
    f32 = np.float32
    return ct.astype(f32), st.astype(f32), ci.astype(f32), si.astype(f32)


_CT, _ST, _CI, _SI = _make_tables()


def _fwd_body(x_ref, ct_ref, st_ref, rm_ref, im_ref, magi_ref):
    xb = x_ref[0]
    rt = jnp.dot(ct_ref[...], xb,
                 preferred_element_type=jnp.float32,
                 precision=jax.lax.Precision.HIGHEST)
    it = jnp.dot(st_ref[...], xb,
                 preferred_element_type=jnp.float32,
                 precision=jax.lax.Precision.HIGHEST)
    mag = rt * rt + it * it
    magi_ref[...] = jax.lax.bitcast_convert_type(mag, jnp.int32)
    magi = magi_ref[...]

    def body(i, acc):
        cand = acc | (jnp.int32(1) << (jnp.int32(30) - i))
        cnt = jnp.sum((magi >= cand).astype(jnp.float32), axis=0,
                      keepdims=True)
        return jnp.where(cnt >= (_K - 0.5), cand, acc)

    thr = jax.lax.fori_loop(0, 31, body, jnp.zeros((1, _W), jnp.int32))
    mask = (magi >= thr).astype(jnp.float32)
    rm_ref[0] = rt * mask
    im_ref[0] = it * mask


def _inv_body(rm_ref, im_ref, ci_ref, si_ref, out_ref):
    nt = (((1,), (1,)), ((), ()))
    out_ref[0] = (
        jax.lax.dot_general(ci_ref[...], rm_ref[0].astype(jnp.bfloat16), nt,
                            preferred_element_type=jnp.float32)
        + jax.lax.dot_general(si_ref[...], im_ref[0].astype(jnp.bfloat16), nt,
                              preferred_element_type=jnp.float32)
    )


def kernel(x):
    batch, length, channels = x.shape
    nw = channels // _W
    grid = (batch, nw)
    ct = jnp.asarray(_CT)
    st = jnp.asarray(_ST)
    ci = jnp.asarray(_CI).astype(jnp.bfloat16)
    si = jnp.asarray(_SI).astype(jnp.bfloat16)

    rm, im = pl.pallas_call(
        _fwd_body,
        grid=grid,
        in_specs=[
            pl.BlockSpec((1, _N, _W), lambda b, c: (b, 0, c)),
            pl.BlockSpec((_P, _N), lambda b, c: (0, 0)),
            pl.BlockSpec((_P, _N), lambda b, c: (0, 0)),
        ],
        out_specs=[
            pl.BlockSpec((1, _P, _W), lambda b, c: (b, 0, c)),
            pl.BlockSpec((1, _P, _W), lambda b, c: (b, 0, c)),
        ],
        out_shape=[
            jax.ShapeDtypeStruct((batch, _P, channels), jnp.float32),
            jax.ShapeDtypeStruct((batch, _P, channels), jnp.float32),
        ],
        scratch_shapes=[pltpu.VMEM((_P, _W), jnp.int32)],
    )(x, ct, st)

    out = pl.pallas_call(
        _inv_body,
        grid=(batch, length // _TW),
        in_specs=[
            pl.BlockSpec((1, _P, _C), lambda b, t: (b, 0, 0)),
            pl.BlockSpec((1, _P, _C), lambda b, t: (b, 0, 0)),
            pl.BlockSpec((_TW, _C), lambda b, t: (t, 0)),
            pl.BlockSpec((_TW, _C), lambda b, t: (t, 0)),
        ],
        out_specs=pl.BlockSpec((1, _TW, _P), lambda b, t: (b, t, 0)),
        out_shape=jax.ShapeDtypeStruct((batch, length, _P), jnp.float32),
    )(rm, im, ci, si)
    return out[:, :, :_F]

# --- scband reference (transcript-rebuilt; emitter-appended) ---
"""Pipeline reference for scband-fourier-block-39444979647098 (READ-ONLY COPY).

The authoritative reference and input builder live on the scoring server;
editing this copy changes nothing except your own understanding.
"""

import jax, jax.numpy as jnp
import numpy as np

TOP_K_FREQ = 64

def setup_inputs(seed: int = 0) -> dict:
    key = jax.random.key(seed)
    x = jax.random.normal(key, (4, 2048, 1024), dtype=jnp.float32)
    return {"x": x}

def reference(x):
    batch, length, channels = x.shape
    freq_x = jnp.fft.rfft(x, axis=1)
    mag = jnp.abs(freq_x)

    def filter_frequencies(freq_x_b, mag_b):
        def filter_channel(freq_x_bc, mag_bc):
            top_k_indices = jnp.argsort(mag_bc)[-TOP_K_FREQ:]
            mask = jnp.zeros_like(mag_bc)
            mask = mask.at[top_k_indices].set(1)
            return freq_x_bc * mask
        return jax.vmap(filter_channel, in_axes=(1, 1))(freq_x_b, mag_b)

    freq_x_filtered = jax.vmap(filter_frequencies, in_axes=(0, 0))(freq_x, mag)
    out = jnp.fft.irfft(freq_x_filtered, n=length, axis=1)
    return out

if __name__ == "__main__":
    import jax
    _d = setup_inputs()
    print(jax.jit(kernel)(*tuple(_d.values())))

</pallas_src>

<mosaic_0001>
module attributes {stable_mosaic.version = 14 : i64} {
  func.func @_inv_body(%arg0: i32, %arg1: i32, %arg2: memref<1x1032x1024xf32, #tpu.memory_space<vmem>>, %arg3: memref<1x1032x1024xf32, #tpu.memory_space<vmem>>, %arg4: memref<512x1024xbf16, #tpu.memory_space<vmem>>, %arg5: memref<512x1024xbf16, #tpu.memory_space<vmem>>, %arg6: memref<1x512x1032xf32, #tpu.memory_space<vmem>>) attributes {dimension_semantics = [#tpu.dimension_semantics<arbitrary>, #tpu.dimension_semantics<arbitrary>], iteration_bounds = array<i64: 4, 4>, scalar_prefetch = 0 : i64, scratch_operands = 0 : i64, tpu.core_type = #tpu.core_type<tc>, window_params = [{transform_indices = @transform_0, window_bounds = array<i64: 1, 1032, 1024>}, {transform_indices = @transform_1, window_bounds = array<i64: 1, 1032, 1024>}, {transform_indices = @transform_2, window_bounds = array<i64: 512, 1024>}, {transform_indices = @transform_3, window_bounds = array<i64: 512, 1024>}, {transform_indices = @transform_4, window_bounds = array<i64: 1, 512, 1032>}]} {
    %get3A = arith.constant 0 : index
    %get3A_0 = arith.constant 0 : index
    %get3A_1 = vector.load %arg4[%get3A, %get3A_0] : memref<512x1024xbf16, #tpu.memory_space<vmem>>, vector<512x1024xbf16>
    %get3A_2 = arith.constant 0 : index
    %get3A_3 = arith.constant 0 : index
    %get3A_4 = arith.constant 0 : index
    %get3A_5 = vector.load %arg2[%get3A_2, %get3A_3, %get3A_4] : memref<1x1032x1024xf32, #tpu.memory_space<vmem>>, vector<1x1032x1024xf32>
    %get3A_6 = vector.shape_cast %get3A_5 : vector<1x1032x1024xf32> to vector<1032x1024xf32>
    %convert_element_type3A = arith.truncf %get3A_6 : vector<1032x1024xf32> to vector<1032x1024xbf16>
    %dot_general3A = arith.constant dense<0.000000e+00> : vector<512x1032xf32>
    %dot_general3A_7 = tpu.matmul %get3A_1, %convert_element_type3A, %dot_general3A {dimension_numbers = #tpu.dot_dimension_numbers<[1], [1], [0], [0], [0, 0, 1, 0], [], []>, transpose_lhs_hint = false} : vector<512x1024xbf16>, vector<1032x1024xbf16>, vector<512x1032xf32> -> vector<512x1032xf32>
    %get3A_8 = arith.constant 0 : index
    %get3A_9 = arith.constant 0 : index
    %get3A_10 = vector.load %arg5[%get3A_8, %get3A_9] : memref<512x1024xbf16, #tpu.memory_space<vmem>>, vector<512x1024xbf16>
    %get3A_11 = arith.constant 0 : index
    %get3A_12 = arith.constant 0 : index
    %get3A_13 = arith.constant 0 : index
    %get3A_14 = vector.load %arg3[%get3A_11, %get3A_12, %get3A_13] : memref<1x1032x1024xf32, #tpu.memory_space<vmem>>, vector<1x1032x1024xf32>
    %get3A_15 = vector.shape_cast %get3A_14 : vector<1x1032x1024xf32> to vector<1032x1024xf32>
    %convert_element_type3A_16 = arith.truncf %get3A_15 : vector<1032x1024xf32> to vector<1032x1024xbf16>
    %dot_general3A_17 = arith.constant dense<0.000000e+00> : vector<512x1032xf32>
    %dot_general3A_18 = tpu.matmul %get3A_10, %convert_element_type3A_16, %dot_general3A_17 {dimension_numbers = #tpu.dot_dimension_numbers<[1], [1], [0], [0], [0, 0, 1, 0], [], []>, transpose_lhs_hint = false} : vector<512x1024xbf16>, vector<1032x1024xbf16>, vector<512x1032xf32> -> vector<512x1032xf32>
    %add3A = arith.addf %dot_general3A_7, %dot_general3A_18 : vector<512x1032xf32>
    %swap3A = arith.constant 0 : index
    %swap3A_19 = arith.constant 0 : index
    %swap3A_20 = arith.constant 0 : index
    %swap3A_21 = vector.load %arg6[%swap3A, %swap3A_19, %swap3A_20] : memref<1x512x1032xf32, #tpu.memory_space<vmem>>, vector<1x512x1032xf32>
    %swap3A_22 = vector.shape_cast %swap3A_21 : vector<1x512x1032xf32> to vector<512x1032xf32>
    %swap3A_23 = vector.shape_cast %add3A : vector<512x1032xf32> to vector<1x512x1032xf32>
    tpu.vector_store %arg6[%swap3A, %swap3A_19, %swap3A_20], %swap3A_23 {strides = array<i32>} : memref<1x512x1032xf32, #tpu.memory_space<vmem>>, vector<1x512x1032xf32>,
    return
  }
  func.func @transform_0(%arg0: i32, %arg1: i32) -> (i32, i32, i32) {
    %c0_i32 = arith.constant 0 : i32
    %c0_i32_0 = arith.constant 0 : i32
    %c0_i32_1 = arith.constant 0 : i32
    return %arg0, %c0_i32, %c0_i32_0 : i32, i32, i32
  }
  func.func @transform_1(%arg0: i32, %arg1: i32) -> (i32, i32, i32) {
    %c0_i32 = arith.constant 0 : i32
    %c0_i32_0 = arith.constant 0 : i32
    %c0_i32_1 = arith.constant 0 : i32
    return %arg0, %c0_i32, %c0_i32_0 : i32, i32, i32
  }
  func.func @transform_2(%arg0: i32, %arg1: i32) -> (i32, i32) {
    %c0_i32 = arith.constant 0 : i32
    %c0_i32_0 = arith.constant 0 : i32
    return %arg1, %c0_i32 : i32, i32
  }
  func.func @transform_3(%arg0: i32, %arg1: i32) -> (i32, i32) {
    %c0_i32 = arith.constant 0 : i32
    %c0_i32_0 = arith.constant 0 : i32
    return %arg1, %c0_i32 : i32, i32
  }
  func.func @transform_4(%arg0: i32, %arg1: i32) -> (i32, i32, i32) {
    %c0_i32 = arith.constant 0 : i32
    %c0_i32_0 = arith.constant 0 : i32
    return %arg0, %arg1, %c0_i32 : i32, i32, i32
  }
}

module attributes {stable_mosaic.version = 14 : i64} {
  func.func @_fwd_body(%arg0: i32, %arg1: i32, %arg2: memref<1x2048x512xf32, #tpu.memory_space<vmem>>, %arg3: memref<1032x2048xf32, #tpu.memory_space<vmem>>, %arg4: memref<1032x2048xf32, #tpu.memory_space<vmem>>, %arg5: memref<1x1032x512xf32, #tpu.memory_space<vmem>>, %arg6: memref<1x1032x512xf32, #tpu.memory_space<vmem>>, %arg7: memref<1032x512xi32, #tpu.memory_space<vmem>>) attributes {dimension_semantics = [#tpu.dimension_semantics<arbitrary>, #tpu.dimension_semantics<arbitrary>], iteration_bounds = array<i64: 4, 2>, scalar_prefetch = 0 : i64, scratch_operands = 1 : i64, tpu.core_type = #tpu.core_type<tc>, window_params = [{transform_indices = @transform_0, window_bounds = array<i64: 1, 2048, 512>}, {pipeline_mode = #tpu.pipeline_mode<synchronous>, transform_indices = @transform_1, window_bounds = array<i64: 1032, 2048>}, {pipeline_mode = #tpu.pipeline_mode<synchronous>, transform_indices = @transform_2, window_bounds = array<i64: 1032, 2048>}, {transform_indices = @transform_3, window_bounds = array<i64: 1, 1032, 512>}, {transform_indices = @transform_4, window_bounds = array<i64: 1, 1032, 512>}]} {
    %get3A = arith.constant 0 : index
    %get3A_0 = arith.constant 0 : index
    %get3A_1 = arith.constant 0 : index
    %get3A_2 = vector.load %arg2[%get3A, %get3A_0, %get3A_1] : memref<1x2048x512xf32, #tpu.memory_space<vmem>>, vector<1x2048x512xf32>
    %get3A_3 = vector.shape_cast %get3A_2 : vector<1x2048x512xf32> to vector<2048x512xf32>
    %get3A_4 = arith.constant 0 : index
    %get3A_5 = arith.constant 0 : index
    %get3A_6 = vector.load %arg3[%get3A_4, %get3A_5] : memref<1032x2048xf32, #tpu.memory_space<vmem>>, vector<1032x2048xf32>
    %dot_general3A = arith.constant dense<0.000000e+00> : vector<1032x512xf32>
    %dot_general3A_7 = tpu.matmul %get3A_6, %get3A_3, %dot_general3A {dimension_numbers = #tpu.dot_dimension_numbers<[1], [0], [0], [1], [0, 0, 1, 1], [], []>, precision = #tpu.contract_precision<fp32>, transpose_lhs_hint = false} : vector<1032x2048xf32>, vector<2048x512xf32>, vector<1032x512xf32> -> vector<1032x512xf32>
    %get3A_8 = arith.constant 0 : index
    %get3A_9 = arith.constant 0 : index
    %get3A_10 = vector.load %arg4[%get3A_8, %get3A_9] : memref<1032x2048xf32, #tpu.memory_space<vmem>>, vector<1032x2048xf32>
    %dot_general3A_11 = arith.constant dense<0.000000e+00> : vector<1032x512xf32>
    %dot_general3A_12 = tpu.matmul %get3A_10, %get3A_3, %dot_general3A_11 {dimension_numbers = #tpu.dot_dimension_numbers<[1], [0], [0], [1], [0, 0, 1, 1], [], []>, precision = #tpu.contract_precision<fp32>, transpose_lhs_hint = false} : vector<1032x2048xf32>, vector<2048x512xf32>, vector<1032x512xf32> -> vector<1032x512xf32>
    %mul3A = arith.mulf %dot_general3A_7, %dot_general3A_7 : vector<1032x512xf32>
    %mul3A_13 = arith.mulf %dot_general3A_12, %dot_general3A_12 : vector<1032x512xf32>
    %add3A = arith.addf %mul3A, %mul3A_13 : vector<1032x512xf32>
    %bitcast_convert_type3A = tpu.bitcast %add3A : vector<1032x512xf32> -> vector<1032x512xi32>
    %swap3A = arith.constant 0 : index
    %swap3A_14 = arith.constant 0 : index
    %swap3A_15 = vector.load %arg7[%swap3A, %swap3A_14] : memref<1032x512xi32, #tpu.memory_space<vmem>>, vector<1032x512xi32>
    tpu.vector_store %arg7[%swap3A, %swap3A_14], %bitcast_convert_type3A {strides = array<i32>} : memref<1032x512xi32, #tpu.memory_space<vmem>>, vector<1032x512xi32>,
    %get3A_16 = arith.constant 0 : index
    %get3A_17 = arith.constant 0 : index
    %get3A_18 = vector.load %arg7[%get3A_16, %get3A_17] : memref<1032x512xi32, #tpu.memory_space<vmem>>, vector<1032x512xi32>
    %broadcast_in_dim3A = arith.constant 0 : i32
    %broadcast_in_dim3A_19 = vector.broadcast %broadcast_in_dim3A : i32 to vector<1x512xi32>
    %scan3A = arith.constant 0 : i32
    %scan3A_20 = arith.constant 31 : i32
    %scan3A_21 = arith.addi %scan3A, %scan3A_20 : i32
    %scan3A_22 = arith.constant 1 : i32
    %scan3A_23 = scf.for %scan3A_41 = %scan3A to %scan3A_21 step %scan3A_22 iter_args(%scan3A_42 = %broadcast_in_dim3A_19) -> (vector<1x512xi32>)  : i32 {
      %sub3A = arith.constant 30 : i32
      %sub3A_43 = arith.subi %sub3A, %scan3A_41 : i32
      %shift_left3A = arith.constant 1 : i32
      %shift_left3A_44 = arith.shli %shift_left3A, %sub3A_43 : i32
      %or3A = vector.broadcast %shift_left3A_44 : i32 to vector<1x512xi32>
      %or3A_45 = arith.ori %scan3A_42, %or3A : vector<1x512xi32>
      %ge3A_46 = vector.broadcast %or3A_45 : vector<1x512xi32> to vector<1032x512xi32>
      %ge3A_47 = arith.cmpi sge, %get3A_18, %ge3A_46 : vector<1032x512xi32>
      %convert_element_type3A_48 = arith.extui %ge3A_47 : vector<1032x512xi1> to vector<1032x512xi32>
      %convert_element_type3A_49 = arith.sitofp %convert_element_type3A_48 : vector<1032x512xi32> to vector<1032x512xf32>
      %reduce_sum3A = arith.constant dense<0.000000e+00> : vector<512xf32>
      %reduce_sum3A_50 = vector.multi_reduction <add>, %convert_element_type3A_49, %reduce_sum3A [0] : vector<1032x512xf32> to vector<512xf32>
      %broadcast_in_dim3A_51 = vector.shape_cast %reduce_sum3A_50 : vector<512xf32> to vector<1x512xf32>
      %ge3A_52 = arith.constant 6.350000e+01 : f32
      %ge3A_53 = vector.broadcast %ge3A_52 : f32 to vector<1x512xf32>
      %ge3A_54 = arith.cmpf oge, %broadcast_in_dim3A_51, %ge3A_53 : vector<1x512xf32>
      %select_n3A = arith.select %ge3A_54, %or3A_45, %scan3A_42 : vector<1x512xi1>, vector<1x512xi32>
      scf.yield %select_n3A : vector<1x512xi32>
    }
    %scan3A_24 = arith.constant 31 : i32
    %ge3A = vector.broadcast %scan3A_23 : vector<1x512xi32> to vector<1032x512xi32>
    %ge3A_25 = arith.cmpi sge, %get3A_18, %ge3A : vector<1032x512xi32>
    %convert_element_type3A = arith.extui %ge3A_25 : vector<1032x512xi1> to vector<1032x512xi32>
    %convert_element_type3A_26 = arith.sitofp %convert_element_type3A : vector<1032x512xi32> to vector<1032x512xf32>
    %mul3A_27 = arith.mulf %dot_general3A_7, %convert_element_type3A_26 : vector<1032x512xf32>
    %swap3A_28 = arith.constant 0 : index
    %swap3A_29 = arith.constant 0 : index
    %swap3A_30 = arith.constant 0 : index
    %swap3A_31 = vector.load %arg5[%swap3A_28, %swap3A_29, %swap3A_30] : memref<1x1032x512xf32, #tpu.memory_space<vmem>>, vector<1x1032x512xf32>
    %swap3A_32 = vector.shape_cast %swap3A_31 : vector<1x1032x512xf32> to vector<1032x512xf32>
    %swap3A_33 = vector.shape_cast %mul3A_27 : vector<1032x512xf32> to vector<1x1032x512xf32>
    tpu.vector_store %arg5[%swap3A_28, %swap3A_29, %swap3A_30], %swap3A_33 {strides = array<i32>} : memref<1x1032x512xf32, #tpu.memory_space<vmem>>, vector<1x1032x512xf32>,
    %mul3A_34 = arith.mulf %dot_general3A_12, %convert_element_type3A_26 : vector<1032x512xf32>
    %swap3A_35 = arith.constant 0 : index
    %swap3A_36 = arith.constant 0 : index
    %swap3A_37 = arith.constant 0 : index
    %swap3A_38 = vector.load %arg6[%swap3A_35, %swap3A_36, %swap3A_37] : memref<1x1032x512xf32, #tpu.memory_space<vmem>>, vector<1x1032x512xf32>
    %swap3A_39 = vector.shape_cast %swap3A_38 : vector<1x1032x512xf32> to vector<1032x512xf32>
    %swap3A_40 = vector.shape_cast %mul3A_34 : vector<1032x512xf32> to vector<1x1032x512xf32>
    tpu.vector_store %arg6[%swap3A_35, %swap3A_36, %swap3A_37], %swap3A_40 {strides = array<i32>} : memref<1x1032x512xf32, #tpu.memory_space<vmem>>, vector<1x1032x512xf32>,
    return
  }
  func.func @transform_0(%arg0: i32, %arg1: i32) -> (i32, i32, i32) {
    %c0_i32 = arith.constant 0 : i32
    %c0_i32_0 = arith.constant 0 : i32
    return %arg0, %c0_i32, %arg1 : i32, i32, i32
  }
  func.func @transform_1(%arg0: i32, %arg1: i32) -> (i32, i32) {
    %c0_i32 = arith.constant 0 : i32
    %c0_i32_0 = arith.constant 0 : i32
    %c0_i32_1 = arith.constant 0 : i32
    return %c0_i32, %c0_i32_0 : i32, i32
  }
  func.func @transform_2(%arg0: i32, %arg1: i32) -> (i32, i32) {
    %c0_i32 = arith.constant 0 : i32
    %c0_i32_0 = arith.constant 0 : i32
    %c0_i32_1 = arith.constant 0 : i32
    return %c0_i32, %c0_i32_0 : i32, i32
  }
  func.func @transform_3(%arg0: i32, %arg1: i32) -> (i32, i32, i32) {
    %c0_i32 = arith.constant 0 : i32
    %c0_i32_0 = arith.constant 0 : i32
    return %arg0, %c0_i32, %arg1 : i32, i32, i32
  }
  func.func @transform_4(%arg0: i32, %arg1: i32) -> (i32, i32, i32) {
    %c0_i32 = arith.constant 0 : i32
    %c0_i32_0 = arith.constant 0 : i32
    return %arg0, %c0_i32, %arg1 : i32, i32, i32
  }
}

</mosaic_0001>

<sc_bundles>
// kernel: sparse-core-data-format-call.cloned.1.call-start
scs
called_computation_lowered:
.L_overlay_start_0:
0x0: {  	s2 =	sld [smem:$0x3FD9]  }
0x1: {  	s3 =	sld [smem:$0x3FFE];
	_ =	sdelay $0x1  }
0x2: {  	s1 =	srdreg.scid  }
0x3: {  	s0 =	sand.u32 $0x1, s1  }
0x4: {  	s18 =	sshll.u32 s0, $0xA;
	s2 =	sadd.s32 s3, s2  }
0x5: {  	s2 =	sadd.s32 s2, s18  }
0x6: {  	[smem:$0x3FC7] =	sst s2  }
0x7: {  	_ = 	snop  }
0x8: {  	s2 =	sld [smem:$0x3FD0];
	(tm) =	ssettm $0x1  }
0x9: {  	s19 =	sld [smem:$0x3FFB];
	_ =	sdelay $0x3  }
0xa: {  	_ =	strace s19  }
0xb: {  	s3 =	sld [smem:$0x3FFC];
	_ =	sdelay $0x3  }
0xc: {  	_ =	strace s3  }
0xd: {  	s3 =	sld [smem:$0x3FFD];
	_ =	sdelay $0x3  }
0xe: {  	_ =	strace s3  }
0xf: {  	_ =	strace $0x8FFFFFFF  }
0x10: {  	s20 =	sld [smem:$0x3FDB];
	_ =	sdelay $0x1  }
0x11: {  	s4 =	simm.s32 $_scs_section_size  }
0x12: {  	s5 =	simm.s32 $_size__tile_overlayer_lowered;
	s6 =	simm.s32 $_tile_overlayer_lowered  }
0x13: {  	s23 =	simm.s32 $0x1BFF;
	s22 =	sshll.u32 s6, $0x1;
	s3 =	sadd.s32 s4, s20  }
0x14: {  	s7 =	simm.s32 $0x0;
	s21 =	sshll.u32 s5, $0x1;
	s5 =	sadd.s32 s22, s3  }
0x15: {  	[timem:s7], [sflag:s23] =	dma.local [hbm:s5], s21  }
0x16: {  	_ =	swait.ge [sflag:s23], s21  }
0x17: {  	s4 =	ssub.s32 $0x0, s21;
	[sflag:s23] =	ssyncset.done $0x0  }
0x18: {  	[sflag:s23] =	ssyncadd.s32 s4;
	_ =	sdelay $0x1  }
0x19: {  	s24 =	simm.s32 $0x1B8B  }
0x1a: {  	_ =	swait.ge [sflag:s24], $0x1  }
0x1b: {  	[sflag:s24] =	ssyncset.done $0x0  }
0x1c: {  	s26 =	simm.s32 $0x1B8E;
	s25 =	sld [smem:$0x3FFE];
	[sflag:s24] =	ssyncadd.s32 $0xFFFFFFFF  }
0x1d: {  	s27 =	simm.s32 $execute0_lowered;
	[smem:$0x3FD2] =	sst s26  }
0x1e: {  	s5 =	sshll.u32 s27, $0x1;
	_ =	strace $0x80000046;
	[dreg:$0x1] =	wrdreg $0xFFFFFFFF  }
0x1f: {  	s28 =	simm.s32 $_size_execute0_lowered;
	s3 =	sadd.s32 s3, s5;
	[dreg:$0x0] =	wrdreg $0x0  }
0x20: {  	s5 =	sshll.u32 s28, $0x1;
	[dreg:$0x2] =	wrdreg s3  }
0x21: {  	[dreg:$0x3] =	wrdreg s5  }
0x22: {  	[dreg:$0x4] =	wrdreg $0xC0  }
0x23: {  	_ =	task [dreg:s7], $0x5FFFF  }
0x24: {  	[dreg:$0x1] =	wrdreg $0xFFFFFFFF  }
0x25: {  	[dreg:$0x0] =	wrdreg $0x60  }
0x26: {  	[dreg:$0x2] =	wrdreg s25  }
0x27: {  	[dreg:$0x3] =	wrdreg s2  }
0x28: {  	[dreg:$0x4] =	wrdreg $0x9  }
0x29: {  	_ =	task.clear_ibuf [dreg:s7], $0x5FFFF;
	_ =	strace $0x90000046  }
0x2a: {  	s29 =	simm.s32 $0x9;
	_ =	strace $0x80000048  }
0x2b: {  	_ =	swait.ge [sflag:s29], $0x1  }
0x2c: {  	[sflag:s29] =	ssyncadd.s32 $0xFFFFFFFF  }
0x2d: {  	_ =	strace $0x90000048  }
0x2e: {  	_ =	sfence  }
0x2f: {  	s30 =	sld [smem:$0x0];
	_ =	sdelay $0x2  }
0x30: {  	s31 =	sshll.u32 s1, $0xD;
	s1 =	sshrl.u32 s1, $0x2  }
0x31: {  	s3 =	sand.u32 $0x4000, s31;
	s1 =	sadd.s32 s1, s30  }
0x32: {  	s0 =	sor.u32 s3, s0;
	s1 =	sshll.u32 s1, $0x11  }
0x33: {  	s0 =	sor.u32 s1, s0  }
0x34: {  	s0 =	sadd.s32 $0x8F2B, s0  }
0x35: {  	[sflag:s0] =	ssyncadd.remote.s32 $0x1  }
0x36: {  	_ =	sfence.sel $0xFFFF  }
0x37: {  	[dreg:$0x0] =	wrdreg $0xFFFFFFFF;
	(pc) =	sbr.abs _section_cstart, $3  }
0x38: {  	[dreg:$0x1] =	wrdreg $0xFFFFFFFF  }
0x39: {  	_ =	task.clear_ibuf [dreg:s7], $0x2FFFF;
	_ =	strace $0x9FFFFFFF  }
0x3a: {  	(tm) =	ssettm $0x7FFFFFFF  }
0x3b: {  	_ =	shalt  }
tec
execute0_lowered:
.L_overlay_start_1:
0x0: {  	(tag) =	ssettag $0x1  }
0x1: {  	s0 =	stileid.u32;
	s5 =	rddreg [dreg:$0x0]  }
0x2: {  	s1 =	srdreg.scid;
	s3 =	rddreg [dreg:$0x1];
	s6 =	simm.s32 $0x1  }
0x3: {  	s8 =	simm.s32 $0x2;
	s2 =	sshll.u32 s0, $0x5;
	s1 =	sshll.u32 s1, $0x9  }
0x4: {  	s18 =	simm.s32 $0x0;
	s9 =	simm.s32 $0x2000;
	s1 =	sor.u32 s2, s1  }
0x5: {  	s17 =	simm.s32 $0x0;
	s19 =	simm.s32 $0x0;
	s2 =	sand.u32 $0x380, s1  }
0x6: {  	s10 =	simm.s32 $0x0;
	s11 =	simm.s32 $0x0;
	s4 =	ssub.s32 $0x800, s2  }
0x7: {  	s12 =	simm.s32 $0x0;
	s13 =	simm.s32 $0x0;
	s31 =	sand.u32 $0x380, s4  }
0x8: {  	s16 =	simm.s32 $0x0;
	s7 =	sand.u32 $0x3, s0;
	p0 =	sne.s32 s31, $0x0  }
.Ltmp0:
0x9: {  	s4 =	sshrl.u32 s4, $0xA;
	s6 =	simm.s32 @!p0 $0x0;
	(pc) =	sbr.rel .LBB1_1-.Ltmp0, $4  }
0xa: {  	s1 =	rddreg [dreg:$0x2];
	_ =	strace $0x80000047;
	s6 =	sadd.s32 s6, s4  }
0xb: {  	s4 =	sadd.s32 $0x82600, s5;
	s5 =	simm.s32 $0x1;
	s6 =	smul.u32 $0x9, s6  }
0xc: {  	s15 =	smov.u32 s7;
	s14 =	smov.u32 s2;
	[sflag:s5] =	ssyncpa.u1 $0x0  }
0xd: {  	p0 =	por $0x0, $0x0;
	[sflag:s8] =	ssyncpa.u1 $0x0;
	s8 =	sadd.s32 $0x1, s6  }
.LBB1_4:
0xe: {  	s24 =	sshra.s32 s24, $0x2  }
0xf: {  	s25 =	sshll.u32 s12, $0x7;
	s30 =	sand.u32 $0x78, s11;
	p2 =	sgt.s32 s12, $0x3  }
0x10: {  	s26 =	sshra.s32 s12, $0x1F;
	p1 =	sgt.s32 s10, $0x381;
	s27 =	sshra.s32 s11, $0x1F  }
0x11: {  	s31 =	sshra.s32 s10, $0x1F;
	s23 =	sadd.s32 s24, s23;
	s25 =	sand.u32 $0x180, s25  }
0x12: {  	s26 =	sand.u32 s26, s12;
	s24 =	sor.u32 s25, s30;
	s25 =	smov.u32 s12  }
0x13: {  	v5 =	vld [tilespmem:s21+$0xFFFFFFD0];
	s27 =	sand.u32 s27, s11;
	s30 =	sshll.u32 s11, $0x2;
	s25 =	simm.s32 @!p2 $0x3  }
0x14: {  	[tilespmem:s22+$0x2040 ss:$0x81] =	vst.msk $0xffff, v4;
	v58 =	vld [tilespmem:s21+$0xFFFFFFE0];
	p2 =	sgt.s32 s11, $0x780;
	s25 =	ssub.s32 s25, s26;
	s26 =	smov.u32 s11  }
0x15: {  	[tilespmem:s22+$0x2850 ss:$0x81] =	vst.msk $0xffff, v3;
	v59 =	vld [tilespmem:s21+$0xFFFFFFF0];
	s28 =	sadd.s32 $0xFFFFFFFD, s25;
	s26 =	simm.s32 @!p2 $0x780;
	s25 =	ssub.s32 $0x4, s25  }
0x16: {  	[tilespmem:s22+$0x3060 ss:$0x81] =	vst.msk $0xffff, v2;
	v60 =	vld [tilespmem:s21+$0x0];
	p2 =	sgt.s32 s28, $0x0;
	s28 =	smov.u32 s10;
	s26 =	ssub.s32 s26, s27  }
0x17: {  	[tilespmem:s22+$0x0 ss:$0x81] =	vst.msk $0xffff, v1;
	v61 =	vld [tilespmem:s21+$0x10];
	s27 =	sand.u32 s31, s10;
	s31 =	sand.u32 $0x600, s30;
	s28 =	simm.s32 @!p1 $0x381  }
0x18: {  	v62 =	vld [tilespmem:s21+$0x20];
	[tilespmem:s23+$0x3870 ss:$0x81] =	vst.msk $0xffff, v0;
	s25 =	simm.s32 @p2 $0x0;
	s22 =	ssub.s32 s28, s27;
	s28 =	sadd.s32 $0xFFFFF880, s26  }
0x19: {  	v63 =	vld [tilespmem:s21+$0xFFFFFFC0];
	[tilespmem:s23+$0x810 ss:$0x81] =	vst.msk $0xffff, v5;
	s21 =	sor.u32 s31, s24;
	s26 =	ssub.s32 $0x800, s26;
	p1 =	sgt.s32 s28, $0x7F  }
0x1a: {  	[tilespmem:s23+$0x1020 ss:$0x81] =	vst.msk $0xffff, v58;
	s27 =	sshll.u32 s10, $0xA;
	s29 =	sadd.s32 $0xFFFFFC7F, s22;
	s26 =	simm.s32 @p1 $0x0  }
0x1b: {  	[tilespmem:s23+$0x1830 ss:$0x81] =	vst.msk $0xffff, v59;
	s22 =	ssub.s32 $0x401, s22;
	p1 =	sgt.s32 s29, $0x7F;
	s25 =	smul.u32 s25, s26  }
0x1c: {  	[tilespmem:s23+$0x2040 ss:$0x81] =	vst.msk $0xffff, v60;
	s28 =	sshrl.u32 s11, $0x1;
	s24 =	sadd.s32 s3, s27;
	s22 =	simm.s32 @p1 $0x0  }
0x1d: {  	[tilespmem:s23+$0x2850 ss:$0x81] =	vst.msk $0xffff, v61;
	s29 =	sand.u32 $0x7, s11;
	s22 =	smul.u32 s22, s25;
	s25 =	sand.u32 $0x300, s28  }
0x1e: {  	[tilespmem:s23+$0x3060 ss:$0x81] =	vst.msk $0xffff, v62;
	s21 =	sshrl.u32 s21, $0x3;
	s30 =	sshll.u32 s29, $0x12;
	s24 =	sadd.s32 s25, s24  }
0x1f: {  	[tilespmem:s23+$0x0 ss:$0x81] =	vst.msk $0xffff, v63;
	s31 =	sor.u32 $0x80, s30;
	s22 =	sand.u32 $0x3FFFFFFF, s22;
	s21 =	sadd.s32 s21, s24  }
0x20: {  	[hbm4b:s21+s31] =	stream.strided.scatter [tilespmem:s20], [sflag:$0x2], s22, s9, s31, $0x20;
	[tilespmem:$0x10100] =	vst v63  }
.LBB1_5:
0x21: {  	p1 =	slt.u32 s16, $0x2;
	s21 =	smov.u32 s19  }
0x22: {  	p2 =	sgt.s32 @!p1 s18, $0x381;
	s20 =	sshra.s32 @!p1 s18, $0x1F;
	p3 =	sgt.s32 @!p1 s19, $0x3  }
0x23: {  	s22 =	sshra.s32 @!p1 s19, $0x1F;
	p2 =	por !p2, p1;
	s20 =	sand.u32 @!p1 s20, s18  }
0x24: {  	p3 =	por !p3, p1;
	s19 =	sand.u32 @!p1 s22, s19;
	s22 =	sshra.s32 @!p1 s17, $0x1F  }
0x25: {  	s21 =	simm.s32 @p3 $0x3;
	p3 =	sgt.s32 @!p1 s17, $0x780;
	s18 =	simm.s32 @p2 $0x381  }
0x26: {  	s19 =	ssub.s32 @!p1 s21, s19;
	p3 =	por !p3, p1;
	s21 =	smov.u32 s17  }
0x27: {  	s17 =	sand.u32 @!p1 s22, s17;
	s18 =	ssub.s32 @!p1 s18, s20;
	s21 =	simm.s32 @p3 $0x780  }
0x28: {  	s20 =	sadd.s32 @!p1 $0xFFFFFFFD, s19;
	s19 =	ssub.s32 @!p1 $0x4, s19;
	s17 =	ssub.s32 @!p1 s21, s17  }
0x29: {  	s21 =	sadd.s32 @!p1 $0xFFFFFC7F, s18;
	p2 =	sgt.s32 @!p1 s20, $0x0;
	s20 =	sadd.s32 @!p1 $0xFFFFF880, s17  }
0x2a: {  	s18 =	ssub.s32 @!p1 $0x401, s18;
	p2 =	por !p2, p1;
	p3 =	sgt.s32 @!p1 s20, $0x7F  }
0x2b: {  	s17 =	ssub.s32 @!p1 $0x800, s17;
	s19 =	simm.s32 @!p2 $0x0;
	p2 =	por !p3, p1  }
0x2c: {  	s20 =	sadd.s32 $0x80, s13;
	p3 =	sgt.s32 @!p1 s21, $0x7F;
	s17 =	simm.s32 @!p2 $0x0  }
0x2d: {  	s21 =	smov.u32 s14;
	p2 =	por !p3, p1;
	s17 =	smul.u32 @!p1 s19, s17  }
0x2e: {  	s18 =	simm.s32 @!p2 $0x0;
	p2 =	sgt.s32 s20, $0x400;
	s19 =	sadd.s32 $0x400, s14  }
0x2f: {  	s22 =	smov.u32 s15;
	s21 =	smov.u32 @p2 s19  }
0x30: {  	s17 =	smul.u32 @!p1 s18, s17;
	p3 =	sgt.s32 s21, $0x7FF;
	s18 =	sadd.s32 $0x4, s15  }
0x31: {  	p0 =	por !p0, !p0;
	s23 =	simm.s32 @!p1 $0x2;
	s22 =	smov.u32 @p3 s18  }
0x32: {  	s20 =	simm.s32 @p2 $0x0;
	s19 =	smov.u32 s12;
	p2 =	sgt.s32 s22, $0x3  }
0x33: {  	s12 =	smov.u32 s15;
	s22 =	smov.u32 @p2 s7;
	p2 =	sne.s32 s16, s8  }
.Ltmp1:
0x34: {  	s21 =	smov.u32 @p3 s2;
	s18 =	smov.u32 s10;
	(pc) =	sbr.rel @!p2 .LBB1_6-.Ltmp1, $4  }
0x35: {  	s10 =	smov.u32 s13;
	s13 =	smov.u32 s20;
	s17 =	sand.u32 @!p1 $0x3FFFFFFF, s17  }
0x36: {  	_ =	swait.ge @!p1 [sflag:s23], s17;
	s24 =	ssub.s32 @!p1 $0x0, s17;
	s17 =	smov.u32 s11  }
0x37: {  	s16 =	sadd.s32 $0x1, s16;
	s11 =	smov.u32 s14;
	[sflag:s23] =	ssyncset.done @!p1 $0x0  }
0x38: {  	s14 =	smov.u32 s21;
	s15 =	smov.u32 s22;
	[sflag:s23] =	ssyncadd.s32 @!p1 s24  }
.LBB1_1:
0x39: {  	p1 =	sge.u32 s16, s6  }
0x3a: {  	s20 =	sshrl.u32 @!p1 s14, $0x3  }
0x3b: {  	s21 =	sshll.u32 @!p1 s13, $0x3;
	s20 =	smul.u32 @!p1 $0x2400, s20  }
0x3c: {  	s22 =	sshll.u32 @!p1 s14, $0x7;
	s21 =	sand.u32 @!p1 $0xFFFFFC00, s21  }
0x3d: {  	s20 =	sadd.s32 @!p1 s20, s21;
	s21 =	sand.u32 @!p1 $0x380, s22  }
0x3e: {  	s22 =	sand.u32 @!p1 $0x7F, s13;
	s20 =	sor.u32 @!p1 s21, s20  }
0x3f: {  	s21 =	sor.u32 @!p1 s22, s20  }
0x40: {  	s22 =	smulhi.u32 @!p1 $0x38E38E39, s21  }
0x41: {  	s20 =	smulhi.u32 @!p1 $0x38E38E39, s20  }
0x42: {  	s22 =	sshrl.u32 @!p1 s22, $0x8  }
0x43: {  	s31 =	sadd.s32 $0xFFFFFFFF, s16;
	s20 =	sshrl.u32 @!p1 s20, $0x8;
	s22 =	smul.u32 @!p1 $0x480, s22  }
0x44: {  	s23 =	sxor.u32 @!p1 $0xFFFFFFFF, s16;
	s24 =	smul.u32 @!p1 $0x48000, s15;
	s20 =	sand.u32 @!p1 $0x7FF, s20  }
0x45: {  	s23 =	sshll.u32 @!p1 s23, $0xE;
	s20 =	smul.u32 @!p1 $0x90, s20;
	s21 =	ssub.s32 @!p1 s21, s22  }
0x46: {  	s22 =	sand.u32 @!p1 $0x4000, s23;
	s23 =	sadd.s32 @!p1 s4, s24;
	s24 =	sand.u32 @!p1 $0x7, s21  }
0x47: {  	s21 =	sshrl.u32 @!p1 s21, $0x3;
	s20 =	sadd.s32 @!p1 s20, s23;
	s23 =	sshll.u32 @!p1 s24, $0x12  }
0x48: {  	s20 =	sadd.s32 @!p1 s21, s20;
	s21 =	sor.u32 @!p1 $0x400, s23;
	s23 =	simm.s32 @!p1 $0x2400  }
0x49: {  	[tilespmem:s22], [sflag:$0x1] =	stream.strided.gather @!p1 [hbm4b:s20+s21], $0x4000, s23, s21, $0x38;
	[tilespmem:$0x10100] =	vst v63  }
0x4a: {  	p1 =	sge.u32 s31, s6  }
.Ltmp2:
0x4b: {  	_ = 	snop;
	(pc) =	sbr.rel @p1 .LBB1_5-.Ltmp2, $1  }
0x4c: {  	_ =	sdelay $0x3  }
0x4d: {  	s20 =	simm.s32 $0x1  }
0x4e: {  	_ =	swait.ge [sflag:s5], $0x4000;
	s20 =	simm.s32 @!p0 $0x0  }
0x4f: {  	[sflag:s5] =	ssyncset.done $0x0;
	s21 =	sshll.u32 s20, $0xE  }
0x50: {  	[sflag:s5] =	ssyncadd.s32 $0xFFFFC000;
	s21 =	sor.u32 $0x40, s21  }
0x51: {  	s20 =	smul.u32 $0x10200, s20;
	v0 =	vld [tilespmem:s21+$0x30]  }
0x52: {  	v1 =	vld [tilespmem:s21+$0xFFFFFFD0]  }
0x53: {  	s20 =	sshrl.u32 s20, $0x2;
	v5 =	vld [tilespmem:s21+$0xFFFFFFE0]  }
0x54: {  	v6 =	vld [tilespmem:s21+$0xFFFFFFF0];
	s23 =	sor.u32 $0x8000, s20  }
0x55: {  	s31 =	sand.u32 $0x1, s16;
	v4 =	vld [tilespmem:s21+$0x0];
	s22 =	sadd.s32 $0x0, s23  }
0x56: {  	v3 =	vld [tilespmem:s21+$0x10];
	s20 =	smul.u32 $0x10200, s31;
	[tilespmem:s22+$0x3870 ss:$0x81] =	vst.msk $0xffff, v0  }
0x57: {  	v2 =	vld [tilespmem:s21+$0x20];
	[tilespmem:s22+$0x810 ss:$0x81] =	vst.msk $0xffff, v1  }
0x58: {  	s20 =	sshrl.u32 s20, $0x2;
	v1 =	vld [tilespmem:s21+$0xFFFFFFC0];
	[tilespmem:s22+$0x1020 ss:$0x81] =	vst.msk $0xffff, v5;
	s21 =	sadd.s32 $0x80, s21  }
0x59: {  	s24 =	simm.s32 $0x4;
	s25 =	simm.s32 $0x8;
	s20 =	sor.u32 $0x8000, s20;
	[tilespmem:s22+$0x1830 ss:$0x81] =	vst.msk $0xffff, v6;
	v0 =	vld [tilespmem:s21+$0x30]  }
.LBB1_3:
0x5a: {  	p1 =	sne.s32 s25, $0x1FC;
	v5 =	vld [tilespmem:s21+$0xFFFFFFD0];
	[tilespmem:s22+$0x2040 ss:$0x81] =	vst.msk $0xffff, v4  }
0x5b: {  	v6 =	vld [tilespmem:s21+$0xFFFFFFE0];
	[tilespmem:s22+$0x2850 ss:$0x81] =	vst.msk $0xffff, v3  }
0x5c: {  	s26 =	sshra.s32 s24, $0x2;
	s24 =	smov.u32 s25;
	v7 =	vld [tilespmem:s21+$0xFFFFFFF0];
	[tilespmem:s22+$0x3060 ss:$0x81] =	vst.msk $0xffff, v2  }
.Ltmp3:
0x5d: {  	v4 =	vld [tilespmem:s21+$0x0];
	[tilespmem:s22+$0x0 ss:$0x81] =	vst.msk $0xffff, v1;
	s22 =	sadd.s32 s26, s23;
	(pc) =	sbr.rel @p1 .LBB1_3-.Ltmp3, $4  }
0x5e: {  	v3 =	vld [tilespmem:s21+$0x10];
	[tilespmem:s22+$0x3870 ss:$0x81] =	vst.msk $0xffff, v0  }
0x5f: {  	[tilespmem:s22+$0x810 ss:$0x81] =	vst.msk $0xffff, v5;
	v2 =	vld [tilespmem:s21+$0x20]  }
0x60: {  	v1 =	vld [tilespmem:s21+$0xFFFFFFC0];
	[tilespmem:s22+$0x1020 ss:$0x81] =	vst.msk $0xffff, v6;
	s21 =	sadd.s32 $0x80, s21  }
0x61: {  	s25 =	sadd.s32 $0x4, s25;
	v0 =	vld [tilespmem:s21+$0x30];
	[tilespmem:s22+$0x1830 ss:$0x81] =	vst.msk $0xffff, v7  }
.Ltmp4:
0x62: {  	_ = 	snop;
	(pc) =	sbr.rel .LBB1_4-.Ltmp4, $1  }
0x63: {  	_ =	sdelay $0x3  }
.LBB1_6:
0x64: {  	_ =	sfence.sel $0x180000  }
0x65: {  	s2 =	simm.s32 $0x1;
	[bflag:$0x0] =	sbarrier.arrive $0xFFFF  }
0x66: {  	s31 =	simm.s32 $0x2;
	[sflag:s2] =	ssyncpa.u1 $0x1  }
0x67: {  	[sflag:s31] =	ssyncpa.u1 $0x1  }
0x68: {  	p0 =	sne.s32 s0, $0x0;
	_ =	strace $0x90000047  }
0x69: {  	s0 =	sadd.s32 @!p0 $0x100000, s1;
	[bflag:$0x2] =	sbarrier.arrive $0xFFFF  }
0x6a: {  	[sflag:s0] =	ssyncadd.tile.s32 @!p0 $0x1;
	_ =	shalt  }
.Lfunc_end1:
_tile_overlayer_lowered:
.L_overlay_start_2:
0x6b: {  	(tag) =	ssettag $0x2  }
0x6c: {  	s0 =	rddreg [dreg:$0x0];
	s2 =	stileid.u32  }
0x6d: {  	s1 =	rddreg [dreg:$0x1];
	p0 =	sne.s32 s2, $0x0  }
0x6e: {  	s3 =	rddreg [dreg:$0x2];
	[bflag:$0x3] =	sbarrier.arrive $0xFFFF;
	s2 =	simm.s32 @!p0 $0x1C01  }
0x6f: {  	[timem:s3], [sflag:s2] =	dma.local @!p0 [hbm:s0], s1  }
0x70: {  	s0 =	simm.s32 @!p0 $0x1  }
0x71: {  	_ =	swait.ge @!p0 [sflag:s0], s1  }
0x72: {  	s1 =	ssub.s32 @!p0 $0x0, s1;
	[sflag:s0] =	ssyncset.done @!p0 $0x0  }
0x73: {  	[sflag:s0] =	ssyncadd.s32 @!p0 s1  }
0x74: {  	[bflag:$0x3] =	sbarrier.arrive $0xFFFF  }
0x75: {  	_ =	shalt  }

</sc_bundles>
